<compile_context>
chip_gen: v7x
topology: tpu7x:2x2x1
jax: 0.10.2.dev20260603
libtpu: 0.0.44.dev20260713+nightly
codegen_flags: <defaults>
</compile_context>

<pallas_src>
import functools

import jax
import jax.numpy as jnp
from jax import lax
from jax.experimental import pallas as pl
from jax.experimental.pallas import tpu as pltpu
from jax.experimental.pallas import tpu_sc as plsc

_B, _C, _N, _D, _D2 = 1024, 32, 100000, 512, 2
_NBLK = 2048
_NSTEPS = -(-_N // _NBLK)



def _argmax_body(lg_ref, an_ref, td_ref, w_ref, b_ref,
                 idx_ref, emb_ref, pn_ref, bval_ref, isum_ref):
    j = pl.program_id(0)

    @pl.when(j == 0)
    def _init():
        lg = lg_ref[...]
        m = jnp.max(lg, axis=1, keepdims=True)
        e = jnp.exp(lg - m)
        probs = e / jnp.sum(e, axis=1, keepdims=True)
        nrm = jnp.sqrt(jnp.sum(probs * probs, axis=1, keepdims=True))
        pn = probs / jnp.maximum(nrm, 1e-8)
        riota = lax.broadcasted_iota(jnp.int32, (_B, _C), 1)
        pred = jnp.min(jnp.where(lg == m, riota, _C), axis=1, keepdims=True)
        predoh = (riota == pred).astype(jnp.float32)
        pn_ref[...] = jnp.concatenate([pn, predoh], axis=1)
        emb_ref[...] = (
            jnp.dot(td_ref[...], w_ref[...], preferred_element_type=jnp.float32)
            + b_ref[...]
        )
        bval_ref[...] = jnp.full((1, _B), -jnp.inf, jnp.float32)
        isum_ref[...] = jnp.zeros((1, _B), jnp.int32)

    _H = _NBLK // 2
    for h in range(2):
        an = an_ref[pl.ds(h * _H, _H), :]
        anmax = jnp.max(an, axis=1, keepdims=True)
        ciota = lax.broadcasted_iota(jnp.int32, (_H, _C), 1)
        cls = jnp.min(jnp.where(an == anmax, ciota, _C), axis=1, keepdims=True)
        nrm = jnp.sqrt(jnp.sum(an * an, axis=1, keepdims=True))
        ann = an / jnp.maximum(nrm, 1e-8)
        rows = (j * _NBLK + h * _H) + lax.broadcasted_iota(
            jnp.int32, (_H, 1), 0
        )
        valid = rows < _N
        ann = jnp.where(valid, ann, 0.0)
        oh = jnp.where((ciota == cls) & valid, 2.0, 0.0)
        aug = jnp.concatenate([ann, oh], axis=1)
        sim = lax.dot_general(
            aug, pn_ref[...], (((1,), (1,)), ((), ())),
            preferred_element_type=jnp.float32,
        )

        bmax = jnp.max(sim, axis=0, keepdims=True)
        ridx = (j * _NBLK + h * _H) + jnp.argmax(sim, axis=0).astype(
            jnp.int32
        ).reshape(1, _B)
        upd = bmax > bval_ref[...]
        bval_ref[...] = jnp.where(upd, bmax, bval_ref[...])
        isum_ref[...] = jnp.where(upd, ridx, isum_ref[...])

    @pl.when(j == _NSTEPS - 1)
    def _fin():
        idx_ref[...] = jnp.minimum(isum_ref[...], _N - 1)


def _masked_argmax(logits, all_nodes, train_data, w, b2d):
    return pl.pallas_call(
        _argmax_body,
        grid=(_NSTEPS,),
        in_specs=[
            pl.BlockSpec((_B, _C), lambda j: (0, 0)),
            pl.BlockSpec((_NBLK, _C), lambda j: (j, 0)),
            pl.BlockSpec((_B, _D), lambda j: (0, 0)),
            pl.BlockSpec((_D, _D2), lambda j: (0, 0)),
            pl.BlockSpec((1, _D2), lambda j: (0, 0)),
        ],
        out_specs=[
            pl.BlockSpec((1, _B), lambda j: (0, 0)),
            pl.BlockSpec((_B, _D2), lambda j: (0, 0)),
        ],
        out_shape=[
            jax.ShapeDtypeStruct((1, _B), jnp.int32),
            jax.ShapeDtypeStruct((_B, _D2), jnp.float32),
        ],
        scratch_shapes=[
            pltpu.VMEM((_B, 2 * _C), jnp.float32),
            pltpu.VMEM((1, _B), jnp.float32),
            pltpu.VMEM((1, _B), jnp.int32),
        ],
    )(logits, all_nodes, train_data, w, b2d)


_TROWS = -(-(_N * _D2) // 128)


def _make_sc_gather():
    info = plsc.get_sparse_core_info()
    nc, ns = info.num_cores, info.num_subcores
    nwork = nc * ns
    bpw = _B // nwork
    mesh = plsc.VectorSubcoreMesh(core_axis_name="c", subcore_axis_name="s")

    @functools.partial(
        pl.kernel,
        mesh=mesh,
        out_type=jax.ShapeDtypeStruct((_B, 128), jnp.float32),
        scratch_types=[
            pltpu.VMEM((bpw,), jnp.int32),
            pltpu.VMEM((bpw,), jnp.int32),
            pltpu.VMEM((bpw, 128), jnp.float32),
            pltpu.SemaphoreType.DMA,
        ],
    )
    def _sc_gather(idx_hbm, table_hbm, out_hbm, idx_v, didx_v, rows_v, sem):
        wid = lax.axis_index("s") * nc + lax.axis_index("c")
        base = wid * bpw
        pltpu.sync_copy(idx_hbm.at[0, pl.ds(base, bpw)], idx_v)
        for k in range(bpw // 16):
            v = idx_v[pl.ds(k * 16, 16)]
            didx_v[pl.ds(k * 16, 16)] = jnp.right_shift(v, 6)
        pltpu.async_copy(table_hbm.at[didx_v], rows_v, sem).wait()
        pltpu.sync_copy(rows_v, out_hbm.at[pl.ds(base, bpw)])

    return _sc_gather


def _loss_body(emb_ref, rows_ref, idx_ref, out_ref):
    emb = emb_ref[...]
    off = (idx_ref[...] & 63) * 2
    cols = lax.broadcasted_iota(jnp.int32, (_B, 128), 1)
    rows = rows_ref[...]
    sel0 = jnp.sum(jnp.where(cols == off, rows, 0.0), axis=1, keepdims=True)
    sel1 = jnp.sum(jnp.where(cols == off + 1, rows, 0.0), axis=1, keepdims=True)
    d0 = emb[:, 0:1] - sel0
    d1 = emb[:, 1:2] - sel1
    out_ref[0, 0] = (jnp.sum(d0 * d0) + jnp.sum(d1 * d1)) / (_B * _D2)


def _loss(emb, rows, idx_col):
    return pl.pallas_call(
        _loss_body,
        out_shape=jax.ShapeDtypeStruct((1, 1), jnp.float32),
        out_specs=pl.BlockSpec(memory_space=pltpu.SMEM),
    )(emb, rows, idx_col)


def kernel(logits, train_data, all_nodes, all_nodes_2d, W, b):
    idx2d, emb = _masked_argmax(
        logits, all_nodes, train_data, W, b.reshape(1, _D2)
    )
    flat = all_nodes_2d.reshape(_N * _D2)
    table = jnp.pad(flat, (0, _TROWS * 128 - _N * _D2)).reshape(_TROWS, 128)
    rows = _make_sc_gather()(idx2d, table)
    out = _loss(emb, rows, idx2d.reshape(_B, 1))
    return out[0, 0]

# --- scband reference (transcript-rebuilt; emitter-appended) ---
"""Pipeline reference for scband-contour-loss-13915694039310 (READ-ONLY COPY).

The authoritative reference and input builder live on the scoring server;
editing this copy changes nothing except your own understanding.
"""

import jax, jax.numpy as jnp
import numpy as np

B, C, N, D, D2 = 1024, 32, 100000, 512, 2


def setup_inputs(seed: int = 0) -> dict:
    key = jax.random.key(seed)
    ks = jax.random.split(key, 6)
    return {
        "logits": jax.random.normal(ks[0], (B, C), dtype=jnp.float32),
        "train_data": jax.random.normal(ks[1], (B, D), dtype=jnp.float32),
        "all_nodes": jax.random.normal(ks[2], (N, C), dtype=jnp.float32),
        "all_nodes_2d": jax.random.normal(ks[3], (N, D2), dtype=jnp.float32),
        # 'model' that maps 512-d features to the 2D embedding space: a linear layer W, b
        "W": jax.random.normal(ks[4], (D, D2), dtype=jnp.float32) * 0.02,
        "b": jnp.zeros((D2,), dtype=jnp.float32),
    }


def reference(logits, train_data, all_nodes, all_nodes_2d, W, b):
    # emb_data = model(train_data); model is a linear projection 512 -> 2
    emb = train_data @ W + b  # (B, 2)
    probs = jax.nn.softmax(logits, axis=1)  # (B, C)
    pred = jnp.argmax(probs, axis=1)  # (B,)
    node_cls = jnp.argmax(all_nodes, axis=1)  # (N,)
    eps = 1e-8
    # cosine similarity between each query's softmax probs and every node
    pn = probs / jnp.maximum(jnp.linalg.norm(probs, axis=1, keepdims=True), eps)
    an = all_nodes / jnp.maximum(jnp.linalg.norm(all_nodes, axis=1, keepdims=True), eps)
    sim = pn @ an.T  # (B, N)
    # filter: only nodes whose argmax class matches the predicted class.
    # masking with -inf and taking argmax over all N selects the SAME node as
    # the original per-sample boolean filtering + argmax (order preserved).
    mask = node_cls[None, :] == pred[:, None]  # (B, N)
    sim_m = jnp.where(mask, sim, -jnp.inf)
    idx = jnp.argmax(sim_m, axis=1)  # (B,) closest matching-class node
    sel = jnp.take(all_nodes_2d, idx, axis=0)  # (B, 2) gather
    # F.mse_loss with default 'mean' reduction over the 2-d vectors
    proj = jnp.mean((emb - sel) ** 2, axis=1)  # (B,)
    avg_proj_loss = jnp.mean(proj)  # sum over batch / batch_size
    return avg_proj_loss

if __name__ == "__main__":
    import jax
    _d = setup_inputs()
    print(jax.jit(kernel)(*tuple(_d.values())))

</pallas_src>

<mosaic_0001>
#map = affine_map<(d0, d1) -> (0, 0)>
module attributes {stable_mosaic.version = 14 : i64} {
  func.func @_sc_gather(%arg0: i32, %arg1: i32, %arg2: memref<1x1024xi32, #tpu.memory_space<hbm>>, %arg3: memref<1563x128xf32, #tpu.memory_space<hbm>>, %arg4: memref<1024x128xf32, #tpu.memory_space<hbm>>, %arg5: memref<32xi32, #tpu.memory_space<vmem>>, %arg6: memref<32xi32, #tpu.memory_space<vmem>>, %arg7: memref<32x128xf32, #tpu.memory_space<vmem>>, %arg8: memref<!tpu.dma_semaphore, #tpu.memory_space<semaphore_mem>>) attributes {dimension_semantics = [#tpu.dimension_semantics<core_parallel>, #tpu.dimension_semantics<subcore_parallel>], iteration_bounds = array<i64: 2, 16>, scalar_prefetch = 0 : i64, scratch_operands = 4 : i64, tpu.core_type = #tpu.core_type<sc_vector_subcore>, window_params = [{transform_indices = #map}, {transform_indices = #map}, {transform_indices = #map}]} {
    %mul3A = arith.constant 2 : i32
    %mul3A_0 = arith.muli %arg1, %mul3A : i32
    %add3A = arith.addi %mul3A_0, %arg0 : i32
    %mul3A_1 = arith.constant 32 : i32
    %mul3A_2 = arith.muli %add3A, %mul3A_1 : i32
    %run_scoped3A = arith.constant 0 : i32
    "tpu.region"() ({
      %run_scoped3A_24 = tpu.sem_alloc : memref<!tpu.dma_semaphore, #tpu.memory_space<semaphore_mem>>
      %dma_start3A_25 = tpu.memref_slice %arg2[%run_scoped3A, %mul3A_2] : memref<1x1024xi32, #tpu.memory_space<hbm>> -> memref<1x32xi32, #tpu.memory_space<hbm>>
      %dma_start3A_26 = tpu.memref_squeeze %dma_start3A_25 : memref<1x32xi32, #tpu.memory_space<hbm>> -> memref<32xi32, #tpu.memory_space<hbm>>
      %dma_start3A_27 = tpu.memref_slice %arg2[%run_scoped3A, %mul3A_2] : memref<1x1024xi32, #tpu.memory_space<hbm>> -> memref<1x32xi32, #tpu.memory_space<hbm>>
      %dma_start3A_28 = tpu.memref_squeeze %dma_start3A_27 : memref<1x32xi32, #tpu.memory_space<hbm>> -> memref<32xi32, #tpu.memory_space<hbm>>
      tpu.enqueue_dma source(%dma_start3A_28 : memref<32xi32, #tpu.memory_space<hbm>>) target(%arg5 : memref<32xi32, #tpu.memory_space<vmem>>) target_semaphore(%run_scoped3A_24 : memref<!tpu.dma_semaphore, #tpu.memory_space<semaphore_mem>>)
      %dma_wait3A_29 = tpu.memref_slice %arg2[%run_scoped3A, %mul3A_2] : memref<1x1024xi32, #tpu.memory_space<hbm>> -> memref<1x32xi32, #tpu.memory_space<hbm>>
      %dma_wait3A_30 = tpu.memref_squeeze %dma_wait3A_29 : memref<1x32xi32, #tpu.memory_space<hbm>> -> memref<32xi32, #tpu.memory_space<hbm>>
      %dma_wait3A_31 = tpu.memref_slice %arg2[%run_scoped3A, %mul3A_2] : memref<1x1024xi32, #tpu.memory_space<hbm>> -> memref<1x32xi32, #tpu.memory_space<hbm>>
      %dma_wait3A_32 = tpu.memref_squeeze %dma_wait3A_31 : memref<1x32xi32, #tpu.memory_space<hbm>> -> memref<32xi32, #tpu.memory_space<hbm>>
      tpu.wait_dma2 semaphore(%run_scoped3A_24 : memref<!tpu.dma_semaphore, #tpu.memory_space<semaphore_mem>>) src(%dma_wait3A_32 : memref<32xi32, #tpu.memory_space<hbm>>) dst(%arg5 : memref<32xi32, #tpu.memory_space<vmem>>)
      tpu.yield
    }) : () -> ()
    %get3A = arith.constant 0 : index
    %get3A_3 = tpu.vector_load %arg5[%get3A] {strides = array<i32>} : memref<32xi32, #tpu.memory_space<vmem>>, vector<16xi32>,
    %get3A_4 = vector.shape_cast %get3A_3 : vector<16xi32> to vector<16xi32>
    %shift_right_arithmetic3A = arith.constant 6 : i32
    %shift_right_arithmetic3A_5 = vector.broadcast %shift_right_arithmetic3A : i32 to vector<16xi32>
    %shift_right_arithmetic3A_6 = arith.shrsi %get3A_4, %shift_right_arithmetic3A_5 : vector<16xi32>
    %swap3A = arith.constant 0 : index
    %swap3A_7 = tpu.vector_load %arg6[%swap3A] {strides = array<i32>} : memref<32xi32, #tpu.memory_space<vmem>>, vector<16xi32>,
    %swap3A_8 = vector.shape_cast %swap3A_7 : vector<16xi32> to vector<16xi32>
    %swap3A_9 = vector.shape_cast %shift_right_arithmetic3A_6 : vector<16xi32> to vector<16xi32>
    tpu.vector_store %arg6[%swap3A], %swap3A_9 {strides = array<i32>} : memref<32xi32, #tpu.memory_space<vmem>>, vector<16xi32>,
    %get3A_10 = arith.constant 16 : index
    %get3A_11 = tpu.vector_load %arg5[%get3A_10] {strides = array<i32>} : memref<32xi32, #tpu.memory_space<vmem>>, vector<16xi32>,
    %get3A_12 = vector.shape_cast %get3A_11 : vector<16xi32> to vector<16xi32>
    %shift_right_arithmetic3A_13 = arith.constant 6 : i32
    %shift_right_arithmetic3A_14 = vector.broadcast %shift_right_arithmetic3A_13 : i32 to vector<16xi32>
    %shift_right_arithmetic3A_15 = arith.shrsi %get3A_12, %shift_right_arithmetic3A_14 : vector<16xi32>
    %swap3A_16 = arith.constant 16 : index
    %swap3A_17 = tpu.vector_load %arg6[%swap3A_16] {strides = array<i32>} : memref<32xi32, #tpu.memory_space<vmem>>, vector<16xi32>,
    %swap3A_18 = vector.shape_cast %swap3A_17 : vector<16xi32> to vector<16xi32>
    %swap3A_19 = vector.shape_cast %shift_right_arithmetic3A_15 : vector<16xi32> to vector<16xi32>
    tpu.vector_store %arg6[%swap3A_16], %swap3A_19 {strides = array<i32>} : memref<32xi32, #tpu.memory_space<vmem>>, vector<16xi32>,
    %dma_start3A = arith.constant 0 : i32
    %dma_start3A_20 = arith.constant 0 : i32
    %dma_start3A_21 = tpu.memref_slice %arg3[%dma_start3A, %dma_start3A_20] : memref<1563x128xf32, #tpu.memory_space<hbm>> -> memref<1563x128xf32, #tpu.memory_space<hbm>>
    tpu.enqueue_indirect_dma source(%dma_start3A_21 : memref<1563x128xf32, #tpu.memory_space<hbm>>) target(%arg7 : memref<32x128xf32, #tpu.memory_space<vmem>>) offsets(%arg6 : memref<32xi32, #tpu.memory_space<vmem>>) semaphore(%arg8 : memref<!tpu.dma_semaphore, #tpu.memory_space<semaphore_mem>>)
    %dma_wait3A = arith.constant 0 : i32
    %dma_wait3A_22 = arith.constant 0 : i32
    %dma_wait3A_23 = tpu.memref_slice %arg3[%dma_wait3A, %dma_wait3A_22] : memref<1563x128xf32, #tpu.memory_space<hbm>> -> memref<1563x128xf32, #tpu.memory_space<hbm>>
    tpu.wait_indirect_dma semaphore(%arg8 : memref<!tpu.dma_semaphore, #tpu.memory_space<semaphore_mem>>) src(%dma_wait3A_23 : memref<1563x128xf32, #tpu.memory_space<hbm>>) dst(%arg7 : memref<32x128xf32, #tpu.memory_space<vmem>>)
    "tpu.region"() ({
      %run_scoped3A_24 = tpu.sem_alloc : memref<!tpu.dma_semaphore, #tpu.memory_space<semaphore_mem>>
      %dma_start3A_25 = arith.constant 0 : i32
      %dma_start3A_26 = tpu.memref_slice %arg4[%mul3A_2, %dma_start3A_25] : memref<1024x128xf32, #tpu.memory_space<hbm>> -> memref<32x128xf32, #tpu.memory_space<hbm>>
      %dma_start3A_27 = arith.constant 0 : i32
      %dma_start3A_28 = tpu.memref_slice %arg4[%mul3A_2, %dma_start3A_27] : memref<1024x128xf32, #tpu.memory_space<hbm>> -> memref<32x128xf32, #tpu.memory_space<hbm>>
      tpu.enqueue_dma source(%arg7 : memref<32x128xf32, #tpu.memory_space<vmem>>) target(%dma_start3A_28 : memref<32x128xf32, #tpu.memory_space<hbm>>) target_semaphore(%run_scoped3A_24 : memref<!tpu.dma_semaphore, #tpu.memory_space<semaphore_mem>>)
      %dma_wait3A_29 = arith.constant 0 : i32
      %dma_wait3A_30 = tpu.memref_slice %arg4[%mul3A_2, %dma_wait3A_29] : memref<1024x128xf32, #tpu.memory_space<hbm>> -> memref<32x128xf32, #tpu.memory_space<hbm>>
      %dma_wait3A_31 = arith.constant 0 : i32
      %dma_wait3A_32 = tpu.memref_slice %arg4[%mul3A_2, %dma_wait3A_31] : memref<1024x128xf32, #tpu.memory_space<hbm>> -> memref<32x128xf32, #tpu.memory_space<hbm>>
      tpu.wait_dma2 semaphore(%run_scoped3A_24 : memref<!tpu.dma_semaphore, #tpu.memory_space<semaphore_mem>>) src(%arg7 : memref<32x128xf32, #tpu.memory_space<vmem>>) dst(%dma_wait3A_32 : memref<32x128xf32, #tpu.memory_space<hbm>>)
      tpu.yield
    }) : () -> ()
    return
  }
}

module attributes {stable_mosaic.version = 14 : i64} {
  func.func @_argmax_body(%arg0: i32, %arg1: memref<1024x32xf32, #tpu.memory_space<vmem>>, %arg2: memref<2048x32xf32, #tpu.memory_space<vmem>>, %arg3: memref<1024x512xf32, #tpu.memory_space<vmem>>, %arg4: memref<512x2xf32, #tpu.memory_space<vmem>>, %arg5: memref<1x2xf32, #tpu.memory_space<vmem>>, %arg6: memref<1x1024xi32, #tpu.memory_space<vmem>>, %arg7: memref<1024x2xf32, #tpu.memory_space<vmem>>, %arg8: memref<1024x64xf32, #tpu.memory_space<vmem>>, %arg9: memref<1x1024xf32, #tpu.memory_space<vmem>>, %arg10: memref<1x1024xi32, #tpu.memory_space<vmem>>) attributes {dimension_semantics = [#tpu.dimension_semantics<arbitrary>], iteration_bounds = array<i64: 49>, scalar_prefetch = 0 : i64, scratch_operands = 3 : i64, tpu.core_type = #tpu.core_type<tc>, window_params = [{pipeline_mode = #tpu.pipeline_mode<synchronous>, transform_indices = @transform_0, window_bounds = array<i64: 1024, 32>}, {transform_indices = @transform_1, window_bounds = array<i64: 2048, 32>}, {pipeline_mode = #tpu.pipeline_mode<synchronous>, transform_indices = @transform_2, window_bounds = array<i64: 1024, 512>}, {pipeline_mode = #tpu.pipeline_mode<synchronous>, transform_indices = @transform_3, window_bounds = array<i64: 512, 2>}, {pipeline_mode = #tpu.pipeline_mode<synchronous>, transform_indices = @transform_4, window_bounds = array<i64: 1, 2>}, {pipeline_mode = #tpu.pipeline_mode<synchronous>, transform_indices = @transform_5, window_bounds = array<i64: 1, 1024>}, {pipeline_mode = #tpu.pipeline_mode<synchronous>, transform_indices = @transform_6, window_bounds = array<i64: 1024, 2>}]} {
    %eq3A = arith.constant 0 : i32
    %eq3A_0 = arith.cmpi eq, %arg0, %eq3A : i32
    %convert_element_type3A = arith.extui %eq3A_0 : i1 to i32
    %cond3A = arith.constant 0 : i32
    %cond3A_1 = arith.cmpi ne, %convert_element_type3A, %cond3A : i32
    scf.if %cond3A_1 {
      %get3A_154 = arith.constant 0 : index
      %get3A_155 = arith.constant 0 : index
      %get3A_156 = vector.load %arg1[%get3A_154, %get3A_155] : memref<1024x32xf32, #tpu.memory_space<vmem>>, vector<1024x32xf32>
      %reduce_max3A_157 = arith.constant dense<0xFF800000> : vector<1024xf32>
      %reduce_max3A_158 = vector.multi_reduction <maximumf>, %get3A_156, %reduce_max3A_157 [1] : vector<1024x32xf32> to vector<1024xf32>
      %broadcast_in_dim3A_159 = vector.shape_cast %reduce_max3A_158 : vector<1024xf32> to vector<1024x1xf32>
      %sub3A = vector.broadcast %broadcast_in_dim3A_159 : vector<1024x1xf32> to vector<1024x32xf32>
      %sub3A_160 = arith.subf %get3A_156, %sub3A : vector<1024x32xf32>
      %exp3A = math.exp %sub3A_160 : vector<1024x32xf32>
      %reduce_sum3A_161 = arith.constant dense<0.000000e+00> : vector<1024xf32>
      %reduce_sum3A_162 = vector.multi_reduction <add>, %exp3A, %reduce_sum3A_161 [1] : vector<1024x32xf32> to vector<1024xf32>
      %broadcast_in_dim3A_163 = vector.shape_cast %reduce_sum3A_162 : vector<1024xf32> to vector<1024x1xf32>
      %div3A_164 = vector.broadcast %broadcast_in_dim3A_163 : vector<1024x1xf32> to vector<1024x32xf32>
      %div3A_165 = arith.divf %exp3A, %div3A_164 : vector<1024x32xf32>
      %mul3A_166 = arith.mulf %div3A_165, %div3A_165 : vector<1024x32xf32>
      %reduce_sum3A_167 = arith.constant dense<0.000000e+00> : vector<1024xf32>
      %reduce_sum3A_168 = vector.multi_reduction <add>, %mul3A_166, %reduce_sum3A_167 [1] : vector<1024x32xf32> to vector<1024xf32>
      %broadcast_in_dim3A_169 = vector.shape_cast %reduce_sum3A_168 : vector<1024xf32> to vector<1024x1xf32>
      %sqrt3A_170 = math.sqrt %broadcast_in_dim3A_169 : vector<1024x1xf32>
      %max3A_171 = arith.constant 9.99999993E-9 : f32
      %max3A_172 = vector.broadcast %max3A_171 : f32 to vector<1024x1xf32>
      %max3A_173 = arith.maximumf %sqrt3A_170, %max3A_172 : vector<1024x1xf32>
      %div3A_174 = vector.broadcast %max3A_173 : vector<1024x1xf32> to vector<1024x32xf32>
      %div3A_175 = arith.divf %div3A_165, %div3A_174 : vector<1024x32xf32>
      %iota3A_176 = tpu.iota {dimensions = array<i32: 1>} : vector<1024x32xi32>
      %eq3A_177 = vector.broadcast %broadcast_in_dim3A_159 : vector<1024x1xf32> to vector<1024x32xf32>
      %eq3A_178 = arith.cmpf oeq, %get3A_156, %eq3A_177 : vector<1024x32xf32>
      %jit3A_179 = arith.constant 32 : i32
      %broadcast_in_dim3A_180 = vector.broadcast %jit3A_179 : i32 to vector<1024x32xi32>
      %select_n3A_181 = arith.select %eq3A_178, %iota3A_176, %broadcast_in_dim3A_180 : vector<1024x32xi1>, vector<1024x32xi32>
      %reduce_min3A_182 = arith.constant dense<2147483647> : vector<1024xi32>
      %reduce_min3A_183 = vector.multi_reduction <minsi>, %select_n3A_181, %reduce_min3A_182 [1] : vector<1024x32xi32> to vector<1024xi32>
      %broadcast_in_dim3A_184 = vector.shape_cast %reduce_min3A_183 : vector<1024xi32> to vector<1024x1xi32>
      %eq3A_185 = vector.broadcast %broadcast_in_dim3A_184 : vector<1024x1xi32> to vector<1024x32xi32>
      %eq3A_186 = arith.cmpi eq, %iota3A_176, %eq3A_185 : vector<1024x32xi32>
      %convert_element_type3A_187 = arith.extui %eq3A_186 : vector<1024x32xi1> to vector<1024x32xi32>
      %convert_element_type3A_188 = arith.sitofp %convert_element_type3A_187 : vector<1024x32xi32> to vector<1024x32xf32>
      %concatenate3A_189 = tpu.concatenate %div3A_175, %convert_element_type3A_188 in 1 : vector<1024x32xf32>, vector<1024x32xf32> -> vector<1024x64xf32>
      %swap3A_190 = arith.constant 0 : index
      %swap3A_191 = arith.constant 0 : index
      %swap3A_192 = vector.load %arg8[%swap3A_190, %swap3A_191] : memref<1024x64xf32, #tpu.memory_space<vmem>>, vector<1024x64xf32>
      tpu.vector_store %arg8[%swap3A_190, %swap3A_191], %concatenate3A_189 {strides = array<i32>} : memref<1024x64xf32, #tpu.memory_space<vmem>>, vector<1024x64xf32>,
      %get3A_193 = arith.constant 0 : index
      %get3A_194 = arith.constant 0 : index
      %get3A_195 = vector.load %arg3[%get3A_193, %get3A_194] : memref<1024x512xf32, #tpu.memory_space<vmem>>, vector<1024x512xf32>
      %get3A_196 = arith.constant 0 : index
      %get3A_197 = arith.constant 0 : index
      %get3A_198 = vector.load %arg4[%get3A_196, %get3A_197] : memref<512x2xf32, #tpu.memory_space<vmem>>, vector<512x2xf32>
      %dot_general3A_199 = arith.constant dense<0.000000e+00> : vector<1024x2xf32>
      %dot_general3A_200 = tpu.matmul %get3A_195, %get3A_198, %dot_general3A_199 {dimension_numbers = #tpu.dot_dimension_numbers<[1], [0], [0], [1], [0, 0, 1, 1], [], []>, transpose_lhs_hint = false} : vector<1024x512xf32>, vector<512x2xf32>, vector<1024x2xf32> -> vector<1024x2xf32>
      %get3A_201 = arith.constant 0 : index
      %get3A_202 = arith.constant 0 : index
      %get3A_203 = vector.load %arg5[%get3A_201, %get3A_202] : memref<1x2xf32, #tpu.memory_space<vmem>>, vector<1x2xf32>
      %add3A_204 = vector.broadcast %get3A_203 : vector<1x2xf32> to vector<1024x2xf32>
      %add3A_205 = arith.addf %dot_general3A_200, %add3A_204 : vector<1024x2xf32>
      %swap3A_206 = arith.constant 0 : index
      %swap3A_207 = arith.constant 0 : index
      %swap3A_208 = vector.load %arg7[%swap3A_206, %swap3A_207] : memref<1024x2xf32, #tpu.memory_space<vmem>>, vector<1024x2xf32>
      tpu.vector_store %arg7[%swap3A_206, %swap3A_207], %add3A_205 {strides = array<i32>} : memref<1024x2xf32, #tpu.memory_space<vmem>>, vector<1024x2xf32>,
      %broadcast_in_dim3A_209 = arith.constant 0xFF800000 : f32
      %broadcast_in_dim3A_210 = vector.broadcast %broadcast_in_dim3A_209 : f32 to vector<1x1024xf32>
      %swap3A_211 = arith.constant 0 : index
      %swap3A_212 = arith.constant 0 : index
      %swap3A_213 = vector.load %arg9[%swap3A_211, %swap3A_212] : memref<1x1024xf32, #tpu.memory_space<vmem>>, vector<1x1024xf32>
      tpu.vector_store %arg9[%swap3A_211, %swap3A_212], %broadcast_in_dim3A_210 {strides = array<i32>} : memref<1x1024xf32, #tpu.memory_space<vmem>>, vector<1x1024xf32>,
      %broadcast_in_dim3A_214 = arith.constant 0 : i32
      %broadcast_in_dim3A_215 = vector.broadcast %broadcast_in_dim3A_214 : i32 to vector<1x1024xi32>
      %swap3A_216 = arith.constant 0 : index
      %swap3A_217 = arith.constant 0 : index
      %swap3A_218 = vector.load %arg10[%swap3A_216, %swap3A_217] : memref<1x1024xi32, #tpu.memory_space<vmem>>, vector<1x1024xi32>
      tpu.vector_store %arg10[%swap3A_216, %swap3A_217], %broadcast_in_dim3A_215 {strides = array<i32>} : memref<1x1024xi32, #tpu.memory_space<vmem>>, vector<1x1024xi32>,
    } else {
    }
    %get3A = arith.constant 0 : index
    %get3A_2 = arith.constant 0 : index
    %get3A_3 = vector.load %arg2[%get3A, %get3A_2] : memref<2048x32xf32, #tpu.memory_space<vmem>>, vector<1024x32xf32>
    %reduce_max3A = arith.constant dense<0xFF800000> : vector<1024xf32>
    %reduce_max3A_4 = vector.multi_reduction <maximumf>, %get3A_3, %reduce_max3A [1] : vector<1024x32xf32> to vector<1024xf32>
    %broadcast_in_dim3A = vector.shape_cast %reduce_max3A_4 : vector<1024xf32> to vector<1024x1xf32>
    %iota3A = tpu.iota {dimensions = array<i32: 1>} : vector<1024x32xi32>
    %eq3A_5 = vector.broadcast %broadcast_in_dim3A : vector<1024x1xf32> to vector<1024x32xf32>
    %eq3A_6 = arith.cmpf oeq, %get3A_3, %eq3A_5 : vector<1024x32xf32>
    %jit3A = arith.constant 32 : i32
    %broadcast_in_dim3A_7 = vector.broadcast %jit3A : i32 to vector<1024x32xi32>
    %select_n3A = arith.select %eq3A_6, %iota3A, %broadcast_in_dim3A_7 : vector<1024x32xi1>, vector<1024x32xi32>
    %reduce_min3A = arith.constant dense<2147483647> : vector<1024xi32>
    %reduce_min3A_8 = vector.multi_reduction <minsi>, %select_n3A, %reduce_min3A [1] : vector<1024x32xi32> to vector<1024xi32>
    %broadcast_in_dim3A_9 = vector.shape_cast %reduce_min3A_8 : vector<1024xi32> to vector<1024x1xi32>
    %mul3A = arith.mulf %get3A_3, %get3A_3 : vector<1024x32xf32>
    %reduce_sum3A = arith.constant dense<0.000000e+00> : vector<1024xf32>
    %reduce_sum3A_10 = vector.multi_reduction <add>, %mul3A, %reduce_sum3A [1] : vector<1024x32xf32> to vector<1024xf32>
    %broadcast_in_dim3A_11 = vector.shape_cast %reduce_sum3A_10 : vector<1024xf32> to vector<1024x1xf32>
    %sqrt3A = math.sqrt %broadcast_in_dim3A_11 : vector<1024x1xf32>
    %max3A = arith.constant 9.99999993E-9 : f32
    %max3A_12 = vector.broadcast %max3A : f32 to vector<1024x1xf32>
    %max3A_13 = arith.maximumf %sqrt3A, %max3A_12 : vector<1024x1xf32>
    %div3A = vector.broadcast %max3A_13 : vector<1024x1xf32> to vector<1024x32xf32>
    %div3A_14 = arith.divf %get3A_3, %div3A : vector<1024x32xf32>
    %mul3A_15 = arith.constant 2048 : i32
    %mul3A_16 = arith.muli %arg0, %mul3A_15 : i32
    %add3A = arith.constant 0 : i32
    %add3A_17 = arith.addi %mul3A_16, %add3A : i32
    %iota3A_18 = tpu.iota {dimensions = array<i32: 0>} : vector<1024x1xi32>
    %add3A_19 = vector.broadcast %add3A_17 : i32 to vector<1024x1xi32>
    %add3A_20 = arith.addi %add3A_19, %iota3A_18 : vector<1024x1xi32>
    %lt3A = arith.constant 100000 : i32
    %lt3A_21 = vector.broadcast %lt3A : i32 to vector<1024x1xi32>
    %lt3A_22 = arith.cmpi slt, %add3A_20, %lt3A_21 : vector<1024x1xi32>
    %jit3A_23 = arith.constant 0.000000e+00 : f32
    %broadcast_in_dim3A_24 = vector.shape_cast %lt3A_22 : vector<1024x1xi1> to vector<1024x1xi1>
    %broadcast_in_dim3A_25 = vector.broadcast %broadcast_in_dim3A_24 : vector<1024x1xi1> to vector<1024x32xi1>
    %broadcast_in_dim3A_26 = vector.broadcast %jit3A_23 : f32 to vector<1024x32xf32>
    %select_n3A_27 = arith.select %broadcast_in_dim3A_25, %div3A_14, %broadcast_in_dim3A_26 : vector<1024x32xi1>, vector<1024x32xf32>
    %eq3A_28 = vector.broadcast %broadcast_in_dim3A_9 : vector<1024x1xi32> to vector<1024x32xi32>
    %eq3A_29 = arith.cmpi eq, %iota3A, %eq3A_28 : vector<1024x32xi32>
    %and3A = vector.broadcast %lt3A_22 : vector<1024x1xi1> to vector<1024x32xi1>
    %and3A_30 = arith.andi %eq3A_29, %and3A : vector<1024x32xi1>
    %jit3A_31 = arith.constant 2.000000e+00 : f32
    %jit3A_32 = arith.constant 0.000000e+00 : f32
    %broadcast_in_dim3A_33 = vector.broadcast %jit3A_31 : f32 to vector<1024x32xf32>
    %broadcast_in_dim3A_34 = vector.broadcast %jit3A_32 : f32 to vector<1024x32xf32>
    %select_n3A_35 = arith.select %and3A_30, %broadcast_in_dim3A_33, %broadcast_in_dim3A_34 : vector<1024x32xi1>, vector<1024x32xf32>
    %concatenate3A = tpu.concatenate %select_n3A_27, %select_n3A_35 in 1 : vector<1024x32xf32>, vector<1024x32xf32> -> vector<1024x64xf32>
    %get3A_36 = arith.constant 0 : index
    %get3A_37 = arith.constant 0 : index
    %get3A_38 = vector.load %arg8[%get3A_36, %get3A_37] : memref<1024x64xf32, #tpu.memory_space<vmem>>, vector<1024x64xf32>
    %dot_general3A = arith.constant dense<0.000000e+00> : vector<1024x1024xf32>
    %dot_general3A_39 = tpu.matmul %concatenate3A, %get3A_38, %dot_general3A {dimension_numbers = #tpu.dot_dimension_numbers<[1], [1], [0], [0], [0, 0, 1, 0], [], []>, transpose_lhs_hint = false} : vector<1024x64xf32>, vector<1024x64xf32>, vector<1024x1024xf32> -> vector<1024x1024xf32>
    %reduce_max3A_40 = arith.constant dense<0xFF800000> : vector<1024xf32>
    %reduce_max3A_41 = vector.multi_reduction <maximumf>, %dot_general3A_39, %reduce_max3A_40 [0] : vector<1024x1024xf32> to vector<1024xf32>
    %broadcast_in_dim3A_42 = vector.shape_cast %reduce_max3A_41 : vector<1024xf32> to vector<1x1024xf32>
    %mul3A_43 = arith.constant 2048 : i32
    %mul3A_44 = arith.muli %arg0, %mul3A_43 : i32
    %add3A_45 = arith.constant 0 : i32
    %add3A_46 = arith.addi %mul3A_44, %add3A_45 : i32
    %argmax3A = tpu.reduce_index %dot_general3A_39 {axis = 0 : i32, kind = #tpu.reduction_kind<arg_max>} : vector<1024x1024xf32> -> vector<1024xi32>
    %reshape3A = vector.shape_cast %argmax3A : vector<1024xi32> to vector<1x1024xi32>
    %add3A_47 = vector.broadcast %add3A_46 : i32 to vector<1x1024xi32>
    %add3A_48 = arith.addi %add3A_47, %reshape3A : vector<1x1024xi32>
    %get3A_49 = arith.constant 0 : index
    %get3A_50 = arith.constant 0 : index
    %get3A_51 = vector.load %arg9[%get3A_49, %get3A_50] : memref<1x1024xf32, #tpu.memory_space<vmem>>, vector<1x1024xf32>
    %gt3A = arith.cmpf ogt, %broadcast_in_dim3A_42, %get3A_51 : vector<1x1024xf32>
    %get3A_52 = arith.constant 0 : index
    %get3A_53 = arith.constant 0 : index
    %get3A_54 = vector.load %arg9[%get3A_52, %get3A_53] : memref<1x1024xf32, #tpu.memory_space<vmem>>, vector<1x1024xf32>
    %select_n3A_55 = arith.select %gt3A, %broadcast_in_dim3A_42, %get3A_54 : vector<1x1024xi1>, vector<1x1024xf32>
    %swap3A = arith.constant 0 : index
    %swap3A_56 = arith.constant 0 : index
    %swap3A_57 = vector.load %arg9[%swap3A, %swap3A_56] : memref<1x1024xf32, #tpu.memory_space<vmem>>, vector<1x1024xf32>
    tpu.vector_store %arg9[%swap3A, %swap3A_56], %select_n3A_55 {strides = array<i32>} : memref<1x1024xf32, #tpu.memory_space<vmem>>, vector<1x1024xf32>,
    %get3A_58 = arith.constant 0 : index
    %get3A_59 = arith.constant 0 : index
    %get3A_60 = vector.load %arg10[%get3A_58, %get3A_59] : memref<1x1024xi32, #tpu.memory_space<vmem>>, vector<1x1024xi32>
    %select_n3A_61 = arith.select %gt3A, %add3A_48, %get3A_60 : vector<1x1024xi1>, vector<1x1024xi32>
    %swap3A_62 = arith.constant 0 : index
    %swap3A_63 = arith.constant 0 : index
    %swap3A_64 = vector.load %arg10[%swap3A_62, %swap3A_63] : memref<1x1024xi32, #tpu.memory_space<vmem>>, vector<1x1024xi32>
    tpu.vector_store %arg10[%swap3A_62, %swap3A_63], %select_n3A_61 {strides = array<i32>} : memref<1x1024xi32, #tpu.memory_space<vmem>>, vector<1x1024xi32>,
    %get3A_65 = arith.constant 1024 : index
    %get3A_66 = arith.constant 0 : index
    %get3A_67 = vector.load %arg2[%get3A_65, %get3A_66] : memref<2048x32xf32, #tpu.memory_space<vmem>>, vector<1024x32xf32>
    %reduce_max3A_68 = arith.constant dense<0xFF800000> : vector<1024xf32>
    %reduce_max3A_69 = vector.multi_reduction <maximumf>, %get3A_67, %reduce_max3A_68 [1] : vector<1024x32xf32> to vector<1024xf32>
    %broadcast_in_dim3A_70 = vector.shape_cast %reduce_max3A_69 : vector<1024xf32> to vector<1024x1xf32>
    %iota3A_71 = tpu.iota {dimensions = array<i32: 1>} : vector<1024x32xi32>
    %eq3A_72 = vector.broadcast %broadcast_in_dim3A_70 : vector<1024x1xf32> to vector<1024x32xf32>
    %eq3A_73 = arith.cmpf oeq, %get3A_67, %eq3A_72 : vector<1024x32xf32>
    %jit3A_74 = arith.constant 32 : i32
    %broadcast_in_dim3A_75 = vector.broadcast %jit3A_74 : i32 to vector<1024x32xi32>
    %select_n3A_76 = arith.select %eq3A_73, %iota3A_71, %broadcast_in_dim3A_75 : vector<1024x32xi1>, vector<1024x32xi32>
    %reduce_min3A_77 = arith.constant dense<2147483647> : vector<1024xi32>
    %reduce_min3A_78 = vector.multi_reduction <minsi>, %select_n3A_76, %reduce_min3A_77 [1] : vector<1024x32xi32> to vector<1024xi32>
    %broadcast_in_dim3A_79 = vector.shape_cast %reduce_min3A_78 : vector<1024xi32> to vector<1024x1xi32>
    %mul3A_80 = arith.mulf %get3A_67, %get3A_67 : vector<1024x32xf32>
    %reduce_sum3A_81 = arith.constant dense<0.000000e+00> : vector<1024xf32>
    %reduce_sum3A_82 = vector.multi_reduction <add>, %mul3A_80, %reduce_sum3A_81 [1] : vector<1024x32xf32> to vector<1024xf32>
    %broadcast_in_dim3A_83 = vector.shape_cast %reduce_sum3A_82 : vector<1024xf32> to vector<1024x1xf32>
    %sqrt3A_84 = math.sqrt %broadcast_in_dim3A_83 : vector<1024x1xf32>
    %max3A_85 = arith.constant 9.99999993E-9 : f32
    %max3A_86 = vector.broadcast %max3A_85 : f32 to vector<1024x1xf32>
    %max3A_87 = arith.maximumf %sqrt3A_84, %max3A_86 : vector<1024x1xf32>
    %div3A_88 = vector.broadcast %max3A_87 : vector<1024x1xf32> to vector<1024x32xf32>
    %div3A_89 = arith.divf %get3A_67, %div3A_88 : vector<1024x32xf32>
    %mul3A_90 = arith.constant 2048 : i32
    %mul3A_91 = arith.muli %arg0, %mul3A_90 : i32
    %add3A_92 = arith.constant 1024 : i32
    %add3A_93 = arith.addi %mul3A_91, %add3A_92 : i32
    %iota3A_94 = tpu.iota {dimensions = array<i32: 0>} : vector<1024x1xi32>
    %add3A_95 = vector.broadcast %add3A_93 : i32 to vector<1024x1xi32>
    %add3A_96 = arith.addi %add3A_95, %iota3A_94 : vector<1024x1xi32>
    %lt3A_97 = arith.constant 100000 : i32
    %lt3A_98 = vector.broadcast %lt3A_97 : i32 to vector<1024x1xi32>
    %lt3A_99 = arith.cmpi slt, %add3A_96, %lt3A_98 : vector<1024x1xi32>
    %jit3A_100 = arith.constant 0.000000e+00 : f32
    %broadcast_in_dim3A_101 = vector.shape_cast %lt3A_99 : vector<1024x1xi1> to vector<1024x1xi1>
    %broadcast_in_dim3A_102 = vector.broadcast %broadcast_in_dim3A_101 : vector<1024x1xi1> to vector<1024x32xi1>
    %broadcast_in_dim3A_103 = vector.broadcast %jit3A_100 : f32 to vector<1024x32xf32>
    %select_n3A_104 = arith.select %broadcast_in_dim3A_102, %div3A_89, %broadcast_in_dim3A_103 : vector<1024x32xi1>, vector<1024x32xf32>
    %eq3A_105 = vector.broadcast %broadcast_in_dim3A_79 : vector<1024x1xi32> to vector<1024x32xi32>
    %eq3A_106 = arith.cmpi eq, %iota3A_71, %eq3A_105 : vector<1024x32xi32>
    %and3A_107 = vector.broadcast %lt3A_99 : vector<1024x1xi1> to vector<1024x32xi1>
    %and3A_108 = arith.andi %eq3A_106, %and3A_107 : vector<1024x32xi1>
    %jit3A_109 = arith.constant 2.000000e+00 : f32
    %jit3A_110 = arith.constant 0.000000e+00 : f32
    %broadcast_in_dim3A_111 = vector.broadcast %jit3A_109 : f32 to vector<1024x32xf32>
    %broadcast_in_dim3A_112 = vector.broadcast %jit3A_110 : f32 to vector<1024x32xf32>
    %select_n3A_113 = arith.select %and3A_108, %broadcast_in_dim3A_111, %broadcast_in_dim3A_112 : vector<1024x32xi1>, vector<1024x32xf32>
    %concatenate3A_114 = tpu.concatenate %select_n3A_104, %select_n3A_113 in 1 : vector<1024x32xf32>, vector<1024x32xf32> -> vector<1024x64xf32>
    %get3A_115 = arith.constant 0 : index
    %get3A_116 = arith.constant 0 : index
    %get3A_117 = vector.load %arg8[%get3A_115, %get3A_116] : memref<1024x64xf32, #tpu.memory_space<vmem>>, vector<1024x64xf32>
    %dot_general3A_118 = arith.constant dense<0.000000e+00> : vector<1024x1024xf32>
    %dot_general3A_119 = tpu.matmul %concatenate3A_114, %get3A_117, %dot_general3A_118 {dimension_numbers = #tpu.dot_dimension_numbers<[1], [1], [0], [0], [0, 0, 1, 0], [], []>, transpose_lhs_hint = false} : vector<1024x64xf32>, vector<1024x64xf32>, vector<1024x1024xf32> -> vector<1024x1024xf32>
    %reduce_max3A_120 = arith.constant dense<0xFF800000> : vector<1024xf32>
    %reduce_max3A_121 = vector.multi_reduction <maximumf>, %dot_general3A_119, %reduce_max3A_120 [0] : vector<1024x1024xf32> to vector<1024xf32>
    %broadcast_in_dim3A_122 = vector.shape_cast %reduce_max3A_121 : vector<1024xf32> to vector<1x1024xf32>
    %mul3A_123 = arith.constant 2048 : i32
    %mul3A_124 = arith.muli %arg0, %mul3A_123 : i32
    %add3A_125 = arith.constant 1024 : i32
    %add3A_126 = arith.addi %mul3A_124, %add3A_125 : i32
    %argmax3A_127 = tpu.reduce_index %dot_general3A_119 {axis = 0 : i32, kind = #tpu.reduction_kind<arg_max>} : vector<1024x1024xf32> -> vector<1024xi32>
    %reshape3A_128 = vector.shape_cast %argmax3A_127 : vector<1024xi32> to vector<1x1024xi32>
    %add3A_129 = vector.broadcast %add3A_126 : i32 to vector<1x1024xi32>
    %add3A_130 = arith.addi %add3A_129, %reshape3A_128 : vector<1x1024xi32>
    %get3A_131 = arith.constant 0 : index
    %get3A_132 = arith.constant 0 : index
    %get3A_133 = vector.load %arg9[%get3A_131, %get3A_132] : memref<1x1024xf32, #tpu.memory_space<vmem>>, vector<1x1024xf32>
    %gt3A_134 = arith.cmpf ogt, %broadcast_in_dim3A_122, %get3A_133 : vector<1x1024xf32>
    %get3A_135 = arith.constant 0 : index
    %get3A_136 = arith.constant 0 : index
    %get3A_137 = vector.load %arg9[%get3A_135, %get3A_136] : memref<1x1024xf32, #tpu.memory_space<vmem>>, vector<1x1024xf32>
    %select_n3A_138 = arith.select %gt3A_134, %broadcast_in_dim3A_122, %get3A_137 : vector<1x1024xi1>, vector<1x1024xf32>
    %swap3A_139 = arith.constant 0 : index
    %swap3A_140 = arith.constant 0 : index
    %swap3A_141 = vector.load %arg9[%swap3A_139, %swap3A_140] : memref<1x1024xf32, #tpu.memory_space<vmem>>, vector<1x1024xf32>
    tpu.vector_store %arg9[%swap3A_139, %swap3A_140], %select_n3A_138 {strides = array<i32>} : memref<1x1024xf32, #tpu.memory_space<vmem>>, vector<1x1024xf32>,
    %get3A_142 = arith.constant 0 : index
    %get3A_143 = arith.constant 0 : index
    %get3A_144 = vector.load %arg10[%get3A_142, %get3A_143] : memref<1x1024xi32, #tpu.memory_space<vmem>>, vector<1x1024xi32>
    %select_n3A_145 = arith.select %gt3A_134, %add3A_130, %get3A_144 : vector<1x1024xi1>, vector<1x1024xi32>
    %swap3A_146 = arith.constant 0 : index
    %swap3A_147 = arith.constant 0 : index
    %swap3A_148 = vector.load %arg10[%swap3A_146, %swap3A_147] : memref<1x1024xi32, #tpu.memory_space<vmem>>, vector<1x1024xi32>
    tpu.vector_store %arg10[%swap3A_146, %swap3A_147], %select_n3A_145 {strides = array<i32>} : memref<1x1024xi32, #tpu.memory_space<vmem>>, vector<1x1024xi32>,
    %eq3A_149 = arith.constant 48 : i32
    %eq3A_150 = arith.cmpi eq, %arg0, %eq3A_149 : i32
    %convert_element_type3A_151 = arith.extui %eq3A_150 : i1 to i32
    %cond3A_152 = arith.constant 0 : i32
    %cond3A_153 = arith.cmpi ne, %convert_element_type3A_151, %cond3A_152 : i32
    scf.if %cond3A_153 {
      %get3A_154 = arith.constant 0 : index
      %get3A_155 = arith.constant 0 : index
      %get3A_156 = vector.load %arg10[%get3A_154, %get3A_155] : memref<1x1024xi32, #tpu.memory_space<vmem>>, vector<1x1024xi32>
      %min3A = arith.constant 99999 : i32
      %min3A_157 = vector.broadcast %min3A : i32 to vector<1x1024xi32>
      %min3A_158 = arith.minsi %get3A_156, %min3A_157 : vector<1x1024xi32>
      %swap3A_159 = arith.constant 0 : index
      %swap3A_160 = arith.constant 0 : index
      %swap3A_161 = vector.load %arg6[%swap3A_159, %swap3A_160] : memref<1x1024xi32, #tpu.memory_space<vmem>>, vector<1x1024xi32>
      tpu.vector_store %arg6[%swap3A_159, %swap3A_160], %min3A_158 {strides = array<i32>} : memref<1x1024xi32, #tpu.memory_space<vmem>>, vector<1x1024xi32>,
    } else {
    }
    return
  }
  func.func @transform_0(%arg0: i32) -> (i32, i32) {
    %c0_i32 = arith.constant 0 : i32
    %c0_i32_0 = arith.constant 0 : i32
    %c0_i32_1 = arith.constant 0 : i32
    return %c0_i32, %c0_i32_0 : i32, i32
  }
  func.func @transform_1(%arg0: i32) -> (i32, i32) {
    %c0_i32 = arith.constant 0 : i32
    %c0_i32_0 = arith.constant 0 : i32
    return %arg0, %c0_i32 : i32, i32
  }
  func.func @transform_2(%arg0: i32) -> (i32, i32) {
    %c0_i32 = arith.constant 0 : i32
    %c0_i32_0 = arith.constant 0 : i32
    %c0_i32_1 = arith.constant 0 : i32
    return %c0_i32, %c0_i32_0 : i32, i32
  }
  func.func @transform_3(%arg0: i32) -> (i32, i32) {
    %c0_i32 = arith.constant 0 : i32
    %c0_i32_0 = arith.constant 0 : i32
    %c0_i32_1 = arith.constant 0 : i32
    return %c0_i32, %c0_i32_0 : i32, i32
  }
  func.func @transform_4(%arg0: i32) -> (i32, i32) {
    %c0_i32 = arith.constant 0 : i32
    %c0_i32_0 = arith.constant 0 : i32
    %c0_i32_1 = arith.constant 0 : i32
    return %c0_i32, %c0_i32_0 : i32, i32
  }
  func.func @transform_5(%arg0: i32) -> (i32, i32) {
    %c0_i32 = arith.constant 0 : i32
    %c0_i32_0 = arith.constant 0 : i32
    %c0_i32_1 = arith.constant 0 : i32
    return %c0_i32, %c0_i32_0 : i32, i32
  }
  func.func @transform_6(%arg0: i32) -> (i32, i32) {
    %c0_i32 = arith.constant 0 : i32
    %c0_i32_0 = arith.constant 0 : i32
    %c0_i32_1 = arith.constant 0 : i32
    return %c0_i32, %c0_i32_0 : i32, i32
  }
}

module attributes {stable_mosaic.version = 14 : i64} {
  func.func @_loss_body(%arg0: memref<1024x2xf32, #tpu.memory_space<vmem>>, %arg1: memref<1024x128xf32, #tpu.memory_space<vmem>>, %arg2: memref<1024x1xi32, #tpu.memory_space<vmem>>, %arg3: memref<1x1xf32, #tpu.memory_space<smem>>) attributes {dimension_semantics = [], scalar_prefetch = 0 : i64, scratch_operands = 0 : i64, tpu.core_type = #tpu.core_type<tc>} {
    %get3A = arith.constant 0 : index
    %get3A_0 = arith.constant 0 : index
    %get3A_1 = vector.load %arg0[%get3A, %get3A_0] : memref<1024x2xf32, #tpu.memory_space<vmem>>, vector<1024x2xf32>
    %get3A_2 = arith.constant 0 : index
    %get3A_3 = arith.constant 0 : index
    %get3A_4 = vector.load %arg2[%get3A_2, %get3A_3] : memref<1024x1xi32, #tpu.memory_space<vmem>>, vector<1024x1xi32>
    %and3A = arith.constant 63 : i32
    %and3A_5 = vector.broadcast %and3A : i32 to vector<1024x1xi32>
    %and3A_6 = arith.andi %get3A_4, %and3A_5 : vector<1024x1xi32>
    %mul3A = arith.constant 2 : i32
    %mul3A_7 = vector.broadcast %mul3A : i32 to vector<1024x1xi32>
    %mul3A_8 = arith.muli %and3A_6, %mul3A_7 : vector<1024x1xi32>
    %iota3A = tpu.iota {dimensions = array<i32: 1>} : vector<1024x128xi32>
    %get3A_9 = arith.constant 0 : index
    %get3A_10 = arith.constant 0 : index
    %get3A_11 = vector.load %arg1[%get3A_9, %get3A_10] : memref<1024x128xf32, #tpu.memory_space<vmem>>, vector<1024x128xf32>
    %eq3A = vector.broadcast %mul3A_8 : vector<1024x1xi32> to vector<1024x128xi32>
    %eq3A_12 = arith.cmpi eq, %iota3A, %eq3A : vector<1024x128xi32>
    %jit3A = arith.constant 0.000000e+00 : f32
    %broadcast_in_dim3A = vector.broadcast %jit3A : f32 to vector<1024x128xf32>
    %select_n3A = arith.select %eq3A_12, %get3A_11, %broadcast_in_dim3A : vector<1024x128xi1>, vector<1024x128xf32>
    %reduce_sum3A = arith.constant dense<0.000000e+00> : vector<1024xf32>
    %reduce_sum3A_13 = vector.multi_reduction <add>, %select_n3A, %reduce_sum3A [1] : vector<1024x128xf32> to vector<1024xf32>
    %broadcast_in_dim3A_14 = vector.shape_cast %reduce_sum3A_13 : vector<1024xf32> to vector<1024x1xf32>
    %add3A = arith.constant 1 : i32
    %add3A_15 = vector.broadcast %add3A : i32 to vector<1024x1xi32>
    %add3A_16 = arith.addi %mul3A_8, %add3A_15 : vector<1024x1xi32>
    %eq3A_17 = vector.broadcast %add3A_16 : vector<1024x1xi32> to vector<1024x128xi32>
    %eq3A_18 = arith.cmpi eq, %iota3A, %eq3A_17 : vector<1024x128xi32>
    %jit3A_19 = arith.constant 0.000000e+00 : f32
    %broadcast_in_dim3A_20 = vector.broadcast %jit3A_19 : f32 to vector<1024x128xf32>
    %select_n3A_21 = arith.select %eq3A_18, %get3A_11, %broadcast_in_dim3A_20 : vector<1024x128xi1>, vector<1024x128xf32>
    %reduce_sum3A_22 = arith.constant dense<0.000000e+00> : vector<1024xf32>
    %reduce_sum3A_23 = vector.multi_reduction <add>, %select_n3A_21, %reduce_sum3A_22 [1] : vector<1024x128xf32> to vector<1024xf32>
    %broadcast_in_dim3A_24 = vector.shape_cast %reduce_sum3A_23 : vector<1024xf32> to vector<1024x1xf32>
    %slice3A = vector.extract_strided_slice %get3A_1 {offsets = [0, 0], sizes = [1024, 1], strides = [1, 1]} : vector<1024x2xf32> to vector<1024x1xf32>
    %sub3A = arith.subf %slice3A, %broadcast_in_dim3A_14 : vector<1024x1xf32>
    %slice3A_25 = vector.extract_strided_slice %get3A_1 {offsets = [0, 1], sizes = [1024, 1], strides = [1, 1]} : vector<1024x2xf32> to vector<1024x1xf32>
    %sub3A_26 = arith.subf %slice3A_25, %broadcast_in_dim3A_24 : vector<1024x1xf32>
    %mul3A_27 = arith.mulf %sub3A, %sub3A : vector<1024x1xf32>
    %reduce_sum3A_28 = vector.shape_cast %mul3A_27 : vector<1024x1xf32> to vector<1x1024x1xf32>
    %reduce_sum3A_29 = arith.constant dense<0.000000e+00> : vector<1xf32>
    %reduce_sum3A_30 = vector.multi_reduction <add>, %reduce_sum3A_28, %reduce_sum3A_29 [1, 2] : vector<1x1024x1xf32> to vector<1xf32>
    %reduce_sum3A_31 = vector.shape_cast %reduce_sum3A_30 : vector<1xf32> to vector<1x1x1xf32>
    %reduce_sum3A_32 = vector.extract %reduce_sum3A_31[0, 0, 0] : f32 from vector<1x1x1xf32>
    %mul3A_33 = arith.mulf %sub3A_26, %sub3A_26 : vector<1024x1xf32>
    %reduce_sum3A_34 = vector.shape_cast %mul3A_33 : vector<1024x1xf32> to vector<1x1024x1xf32>
    %reduce_sum3A_35 = arith.constant dense<0.000000e+00> : vector<1xf32>
    %reduce_sum3A_36 = vector.multi_reduction <add>, %reduce_sum3A_34, %reduce_sum3A_35 [1, 2] : vector<1x1024x1xf32> to vector<1xf32>
    %reduce_sum3A_37 = vector.shape_cast %reduce_sum3A_36 : vector<1xf32> to vector<1x1x1xf32>
    %reduce_sum3A_38 = vector.extract %reduce_sum3A_37[0, 0, 0] : f32 from vector<1x1x1xf32>
    %add3A_39 = arith.addf %reduce_sum3A_32, %reduce_sum3A_38 : f32
    %div3A = arith.constant 2.048000e+03 : f32
    %div3A_40 = arith.divf %add3A_39, %div3A : f32
    %swap3A = arith.constant 0 : index
    %swap3A_41 = arith.constant 0 : index
    %swap3A_42 = memref.load %arg3[%swap3A, %swap3A_41] : memref<1x1xf32, #tpu.memory_space<smem>>
    memref.store %div3A_40, %arg3[%swap3A, %swap3A_41] : memref<1x1xf32, #tpu.memory_space<smem>>
    return
  }
}

</mosaic_0001>

<sc_bundles>
// kernel: kernel.5.cloned.1.call-start
scs
__scs_entry_jumppad:
0x0: {  	(pc) =	sbr.rel $0x88, $3  }
0x1: {  	(tag) =	ssettag $0x0;
	lr =	simm.s32 $0x1  }
0x2: {  	[smem:$0x3F9B] =	sst lr;
	_ =	strace $0xD0000000  }
0x3: {  	_ = 	snop  }
0x4: {  	_ = 	snop  }
0x5: {  	_ = 	snop  }
0x6: {  	_ = 	snop  }
0x7: {  	_ = 	snop  }
__scs_overlays_trampoline_lowered:
0x8: {  	[smem:$0x3FAA] =	sst s0  }
0x9: {  	[smem:$0x3FAB] =	sst s1  }
0xa: {  	[smem:$0x3FAC] =	sst s2  }
0xb: {  	[smem:$0x3FAD] =	sst s3  }
0xc: {  	[smem:$0x3FAE] =	sst s4  }
0xd: {  	[smem:$0x3FAF] =	sst s5  }
0xe: {  	[smem:$0x3FB0] =	sst s6  }
0xf: {  	[smem:$0x3FB1] =	sst s7  }
0x10: {  	[smem:$0x3FB2] =	sst s8  }
0x11: {  	[smem:$0x3FB3] =	sst s9;
	s0 =	simm.s32 @!p0 $0x0  }
0x12: {  	s1 =	sld [smem:$0x3F99];
	s0 =	simm.s32 @p0 $0x1  }
0x13: {  	[smem:$0x3FB4] =	sst s0;
	s0 =	simm.s32 @!p1 $0x0  }
0x14: {  	s2 =	sld [smem:$0x3F98];
	s0 =	simm.s32 @p1 $0x1  }
0x15: {  	[smem:$0x3FB5] =	sst s0;
	s0 =	simm.s32 @!p2 $0x0  }
0x16: {  	s3 =	sld [smem:$0x3FDB];
	s0 =	simm.s32 @p2 $0x1  }
0x17: {  	s4 =	simm.s32 $0x1BF5;
	[smem:$0x3FB7] =	sst s0  }
0x18: {  	s0 =	sld [smem:$0x3F9A];
	_ =	swait.ge [sflag:s4], $0x0  }
0x19: {  	s7 =	sld [smem:$0x3F9B]  }
0x1a: {  	s8 =	sadd.s32 $0xFFFFE003, lr  }
0x1b: {  	s9 =	sadd.s32 $0xFFFFFEF7, lr;
	s5 =	simm.s32 $0xFFFFFFFF;
	p2 =	slt.u32 s8, $0xFFFFF086  }
0x1c: {  	p1 =	slt.u32 s9, $0xF7A;
	s5 =	simm.s32 @!p2 $0x0  }
0x1d: {  	s5 =	simm.s32 @p1 $0x1;
	p0 =	seq.s32 s7, s2  }
0x1e: {  	s7 =	smul.u32 @!p0 $0xF7A, s2;
	p2 =	seq.s32 @!p0 s5, $0x0  }
0x1f: {  	s9 =	smul.u32 $0xF7A, s1;
	s8 =	simm.s32 @!p0 $0x1BF5;
	p2 =	por !p2, p0  }
0x20: {  	[sflag:s8] =	ssyncset.s32 @!p0 $0xFFFFF086;
	s6 =	sadd.s32 @!p0 s3, s7;
	s7 =	simm.s32 @!p0 $0x108  }
0x21: {  	s3 =	sadd.s32 s3, s9;
	s6 =	sadd.s32 @!p0 $0x88, s6;
	s7 =	simm.s32 @p2 $0x1082  }
0x22: {  	[simem:s7], [sflag:s8] =	dma.local @!p0 [hbm:s6], $0xF7A  }
0x23: {  	s9 =	sor.u32 $0xD0000000, s2;
	s6 =	simm.s32 $0x108;
	_ =	swait.ge @!p0 [sflag:s8], $0x0  }
0x24: {  	s3 =	sadd.s32 $0x88, s3;
	s6 =	simm.s32 @!p1 $0x1082;
	[sflag:s4] =	ssyncset.s32 $0xFFFFF086  }
0x25: {  	[simem:s6], [sflag:s4] =	dma.local [hbm:s3], $0xF7A  }
0x26: {  	[smem:$0x3F9B] =	sst s1;
	(tag) =	ssettag s2;
	_ =	strace s9  }
0x27: {  	s1 =	sld [smem:$0x3FAB]  }
0x28: {  	s2 =	sld [smem:$0x3FAC]  }
0x29: {  	s4 =	sld [smem:$0x3FAE]  }
0x2a: {  	p0 =	seq.s32 s5, $0x0;
	s5 =	sld [smem:$0x3FAF]  }
0x2b: {  	s6 =	sld [smem:$0x3FB0]  }
0x2c: {  	s7 =	sld [smem:$0x3FB1]  }
0x2d: {  	s3 =	simm.s32 $0x108;
	s8 =	sld [smem:$0x3FB2]  }
0x2e: {  	s3 =	simm.s32 @!p0 $0x1082;
	s9 =	sld [smem:$0x3FB3]  }
0x2f: {  	lr =	sadd.s32 s0, s3;
	s0 =	sld [smem:$0x3FAA]  }
0x30: {  	s3 =	sld [smem:$0x3FAD]  }
0x31: {  	[smem:$0x3FB6] =	sst s10  }
0x32: {  	s10 =	sld [smem:$0x3FB4];
	_ =	sdelay $0x3  }
0x33: {  	p0 =	seq.s32 s10, $0x1;
	s10 =	sld [smem:$0x3FB6];
	_ =	sdelay $0x3  }
0x34: {  	[smem:$0x3FB6] =	sst s10  }
0x35: {  	s10 =	sld [smem:$0x3FB5];
	_ =	sdelay $0x3  }
0x36: {  	p1 =	seq.s32 s10, $0x1;
	s10 =	sld [smem:$0x3FB6];
	_ =	sdelay $0x3  }
0x37: {  	[smem:$0x3FB6] =	sst s10  }
0x38: {  	s10 =	sld [smem:$0x3FB7]  }
0x39: {  	_ = 	snop;
	(pc) =	sbr.ind lr, $3  }
0x3a: {  	_ = 	snop  }
0x3b: {  	_ = 	snop  }
0x3c: {  	p2 =	seq.s32 s10, $0x1;
	s10 =	sld [smem:$0x3FB6]  }
0x3d: {  	_ =	shalt  }
0x3e: {  	_ =	shalt  }
0x3f: {  	_ =	shalt  }
0x40: {  	_ =	shalt  }
0x41: {  	_ =	shalt  }
0x42: {  	_ =	shalt  }
0x43: {  	_ =	shalt  }
0x44: {  	_ =	shalt  }
0x45: {  	_ =	shalt  }
0x46: {  	_ =	shalt  }
0x47: {  	_ =	shalt  }
0x48: {  	_ =	shalt  }
0x49: {  	_ =	shalt  }
0x4a: {  	_ =	shalt  }
0x4b: {  	_ =	shalt  }
0x4c: {  	_ =	shalt  }
0x4d: {  	_ =	shalt  }
0x4e: {  	_ =	shalt  }
0x4f: {  	_ =	shalt  }
0x50: {  	_ =	shalt  }
0x51: {  	_ =	shalt  }
0x52: {  	_ =	shalt  }
0x53: {  	_ =	shalt  }
0x54: {  	_ =	shalt  }
0x55: {  	_ =	shalt  }
0x56: {  	_ =	shalt  }
0x57: {  	_ =	shalt  }
0x58: {  	_ =	shalt  }
0x59: {  	_ =	shalt  }
0x5a: {  	_ =	shalt  }
0x5b: {  	_ =	shalt  }
0x5c: {  	_ =	shalt  }
0x5d: {  	_ =	shalt  }
0x5e: {  	_ =	shalt  }
0x5f: {  	_ =	shalt  }
0x60: {  	_ =	shalt  }
0x61: {  	_ =	shalt  }
0x62: {  	_ =	shalt  }
0x63: {  	_ =	shalt  }
0x64: {  	_ =	shalt  }
0x65: {  	_ =	shalt  }
0x66: {  	_ =	shalt  }
0x67: {  	_ =	shalt  }
0x68: {  	_ =	shalt  }
0x69: {  	_ =	shalt  }
0x6a: {  	_ =	shalt  }
0x6b: {  	_ =	shalt  }
0x6c: {  	_ =	shalt  }
0x6d: {  	_ =	shalt  }
0x6e: {  	_ =	shalt  }
0x6f: {  	_ =	shalt  }
0x70: {  	_ =	shalt  }
0x71: {  	_ =	shalt  }
0x72: {  	_ =	shalt  }
0x73: {  	_ =	shalt  }
0x74: {  	_ =	shalt  }
0x75: {  	_ =	shalt  }
0x76: {  	_ =	shalt  }
0x77: {  	_ =	shalt  }
0x78: {  	_ =	shalt  }
0x79: {  	_ =	shalt  }
0x7a: {  	_ =	shalt  }
0x7b: {  	_ =	shalt  }
0x7c: {  	_ =	shalt  }
0x7d: {  	_ =	shalt  }
0x7e: {  	_ =	shalt  }
0x7f: {  	_ =	shalt  }
0x80: {  	_ =	shalt  }
0x81: {  	_ =	shalt  }
0x82: {  	_ =	shalt  }
0x83: {  	_ =	shalt  }
0x84: {  	_ =	shalt  }
0x85: {  	_ =	shalt  }
0x86: {  	_ =	shalt  }
0x87: {  	_ =	shalt  }
.Lfunc_end0:
.L_simem_size_0:
called_computation_lowered:
.L_overlay_start_0:
0x88: {  	s2 =	sld [smem:$0x3FD9]  }
0x89: {  	s3 =	sld [smem:$0x3FFE];
	_ =	sdelay $0x1  }
0x8a: {  	s1 =	srdreg.scid  }
0x8b: {  	s0 =	sand.u32 $0x1, s1  }
0x8c: {  	s16 =	sshll.u32 s0, $0xA;
	s2 =	sadd.s32 s3, s2  }
0x8d: {  	s2 =	sadd.s32 s2, s16  }
0x8e: {  	[smem:$0x3FC2] =	sst s2  }
0x8f: {  	_ = 	snop  }
0x90: {  	(tm) =	ssettm $0x1  }
0x91: {  	s17 =	sld [smem:$0x3FFB];
	_ =	sdelay $0x3  }
0x92: {  	_ =	strace s17  }
0x93: {  	s2 =	sld [smem:$0x3FFC];
	_ =	sdelay $0x3  }
0x94: {  	_ =	strace s2  }
0x95: {  	s2 =	sld [smem:$0x3FFD];
	_ =	sdelay $0x3  }
0x96: {  	_ =	strace s2  }
0x97: {  	_ =	strace $0x8FFFFFFF  }
0x98: {  	s18 =	sld [smem:$0x3FDB];
	_ =	sdelay $0x1  }
0x99: {  	s19 =	simm.s32 $_scs_section_size  }
0x9a: {  	s4 =	simm.s32 $_size__tile_overlayer_lowered;
	s5 =	simm.s32 $_tile_overlayer_lowered  }
0x9b: {  	s22 =	simm.s32 $0x1BFF;
	s21 =	sshll.u32 s5, $0x1;
	s2 =	sadd.s32 s19, s18  }
0x9c: {  	s6 =	simm.s32 $0x0;
	s20 =	sshll.u32 s4, $0x1;
	s4 =	sadd.s32 s21, s2  }
0x9d: {  	[timem:s6], [sflag:s22] =	dma.local [hbm:s4], s20  }
0x9e: {  	_ =	swait.ge [sflag:s22], s20  }
0x9f: {  	s3 =	ssub.s32 $0x0, s20;
	[sflag:s22] =	ssyncset.done $0x0  }
0xa0: {  	[sflag:s22] =	ssyncadd.s32 s3;
	_ =	sdelay $0x1  }
0xa1: {  	s23 =	simm.s32 $0x1B8B  }
0xa2: {  	_ =	swait.ge [sflag:s23], $0x1  }
0xa3: {  	[sflag:s23] =	ssyncset.done $0x0  }
0xa4: {  	s25 =	simm.s32 $0x1B8E;
	s24 =	sld [smem:$0x3FFE];
	[sflag:s23] =	ssyncadd.s32 $0xFFFFFFFF  }
0xa5: {  	s26 =	simm.s32 $execute0_lowered;
	[smem:$0x3FD2] =	sst s25  }
0xa6: {  	s4 =	sshll.u32 s26, $0x1;
	_ =	strace $0x80000046;
	[dreg:$0x1] =	wrdreg $0xFFFFFFFF  }
0xa7: {  	s28 =	simm.s32 $_size_execute0_lowered;
	s2 =	sadd.s32 s2, s4;
	[dreg:$0x0] =	wrdreg $0x0  }
0xa8: {  	s4 =	sshll.u32 s28, $0x1;
	[dreg:$0x2] =	wrdreg s2  }
0xa9: {  	[dreg:$0x3] =	wrdreg s4  }
0xaa: {  	[dreg:$0x4] =	wrdreg $0xC0  }
0xab: {  	_ =	task [dreg:s6], $0x5FFFF  }
0xac: {  	[dreg:$0x1] =	wrdreg $0xFFFFFFFF  }
0xad: {  	[dreg:$0x0] =	wrdreg $0x60  }
0xae: {  	[dreg:$0x2] =	wrdreg s24  }
0xaf: {  	[dreg:$0x3] =	wrdreg $0x9  }
0xb0: {  	_ =	task.clear_ibuf [dreg:s6], $0x4FFFF;
	_ =	strace $0x90000046  }
0xb1: {  	s29 =	simm.s32 $0x9;
	_ =	strace $0x80000048  }
0xb2: {  	_ =	swait.ge [sflag:s29], $0x1  }
0xb3: {  	[sflag:s29] =	ssyncadd.s32 $0xFFFFFFFF  }
0xb4: {  	_ =	strace $0x90000048  }
0xb5: {  	_ =	sfence  }
0xb6: {  	s30 =	sld [smem:$0x0];
	_ =	sdelay $0x2  }
0xb7: {  	s31 =	sshll.u32 s1, $0xD;
	s1 =	sshrl.u32 s1, $0x2  }
0xb8: {  	s3 =	sand.u32 $0x4000, s31;
	s1 =	sadd.s32 s1, s30  }
0xb9: {  	s0 =	sor.u32 s3, s0;
	s1 =	sshll.u32 s1, $0x11  }
0xba: {  	s0 =	sor.u32 s1, s0  }
0xbb: {  	s0 =	sadd.s32 $0x8F2B, s0  }
0xbc: {  	[sflag:s0] =	ssyncadd.remote.s32 $0x1  }
0xbd: {  	_ =	sfence.sel $0xFFFF  }
0xbe: {  	[dreg:$0x0] =	wrdreg $0xFFFFFFFF;
	(pc) =	sbr.abs _section_cstart, $3  }
0xbf: {  	[dreg:$0x1] =	wrdreg $0xFFFFFFFF  }
0xc0: {  	_ =	task.clear_ibuf [dreg:s6], $0x2FFFF;
	_ =	strace $0x9FFFFFFF  }
0xc1: {  	(tm) =	ssettm $0x7FFFFFFF  }
tec
execute0_lowered:
.L_overlay_start_1:
0x0: {  	(tag) =	ssettag $0x1  }
0x1: {  	s1 =	srdreg.scid  }
0x2: {  	s0 =	stileid.u32;
	s6 =	sand.u32 $0x1, s1  }
0x3: {  	s30 =	sshll.u32 s0, $0x6;
	s2 =	sshll.u32 s6, $0x5  }
0x4: {  	s10 =	rddreg [dreg:$0x0];
	s11 =	sor.u32 s2, s30  }
0x5: {  	s1 =	rddreg [dreg:$0x1];
	s2 =	simm.s32 $0x0;
	s3 =	sshrl.u32 s11, $0x3  }
0x6: {  	[smem:$0x7FF] =	sst s2;
	s3 =	sadd.s32 s3, s10  }
0x7: {  	_ =	strace $0x80000047;
	s4 =	sadd.s32 $0x1200, s3;
	s3 =	simm.s32 $0x2  }
0x8: {  	[tilespmem:s2], [sflag:$0x2] =	stream.linear.gather [hbm4b:s4+s2], $0x20, $0x38;
	[tilespmem:$0x1100] =	vst v63  }
0x9: {  	_ =	swait.ge [sflag:s3], $0x20  }
0xa: {  	[sflag:s3] =	ssyncset.done $0x0  }
0xb: {  	[sflag:s3] =	ssyncadd.s32 $0xFFFFFFE0  }
0xc: {  	v0 =	vld [tilespmem:$0x0]  }
0xd: {  	v1 =	vld [tilespmem:$0x10];
	_ =	sdelay $0x1  }
0xe: {  	s12 =	ssub.s32 $0x2, s6  }
0xf: {  	s7 =	simm.s32 $0x80;
	s13 =	sshrl.u32 s12, $0x1  }
0x10: {  	s8 =	simm.s32 $0x100;
	s11 =	sshll.u32 s11, $0x4;
	s31 =	ssub.s32 s12, s13;
	v0 =	vshra.s32 v0, $0x6  }
0x11: {  	s5 =	sadd.s32 $0x187C00, s10;
	s10 =	sadd.s32 s11, s10;
	s11 =	smax.u32 s31, $0x1;
	v63 =	vshra.s32 v1, $0x6;
	[tilespmem:$0x80] =	vst v0  }
0x12: {  	s9 =	simm.s32 $0x1;
	s6 =	simm.s32 $0x20;
	p0 =	sne.s32 s11, $0x1;
	[tilespmem:$0x90] =	vst v63  }
0x13: {  	[tilespmem:s8], [sflag:$0x1] =	stream.indirect.gather [hbm4b:s5+s6], $0x80, s7, s6, $0xb8;
	[tilespmem:$0x1100] =	vst v63  }
.Ltmp0:
0x14: {  	_ =	swait.ge [sflag:s9], $0x1000;
	(pc) =	sbr.rel @!p0 .LBB2_2-.Ltmp0, $4  }
0x15: {  	[sflag:s9] =	ssyncset.done $0x0  }
0x16: {  	s10 =	sadd.s32 $0x1400, s10;
	[sflag:s9] =	ssyncadd.s32 $0xFFFFF000  }
0x17: {  	[hbm4b:s10+s2] =	stream.linear.scatter [tilespmem:s8], [sflag:$0x2], $0x1000, $0x38;
	[tilespmem:$0x1100] =	vst v63  }
0x18: {  	s11 =	sadd.s32 $0xFFFFFFFF, s11;
	_ =	swait.ge [sflag:s3], $0x1000  }
.LBB2_1:
0x19: {  	p0 =	sne.s32 s11, $0x1;
	s11 =	sadd.s32 $0xFFFFFFFF, s11;
	[sflag:s3] =	ssyncset.done $0x0  }
0x1a: {  	[sflag:s3] =	ssyncadd.s32 $0xFFFFF000  }
0x1b: {  	[tilespmem:s2], [sflag:$0x2] =	stream.linear.gather [hbm4b:s4+s2], $0x20, $0x38;
	[tilespmem:$0x1100] =	vst v63  }
0x1c: {  	_ =	swait.ge [sflag:s3], $0x20  }
0x1d: {  	[sflag:s3] =	ssyncset.done $0x0  }
0x1e: {  	[sflag:s3] =	ssyncadd.s32 $0xFFFFFFE0  }
0x1f: {  	v0 =	vld [tilespmem:$0x0]  }
0x20: {  	v1 =	vld [tilespmem:$0x10];
	_ =	sdelay $0x3  }
0x21: {  	v0 =	vshra.s32 v0, $0x6  }
0x22: {  	[tilespmem:$0x80] =	vst v0;
	v0 =	vshra.s32 v1, $0x6  }
0x23: {  	[tilespmem:$0x90] =	vst v0  }
0x24: {  	[tilespmem:s8], [sflag:$0x1] =	stream.indirect.gather [hbm4b:s5+s6], $0x80, s7, s6, $0xb8;
	[tilespmem:$0x1100] =	vst v63  }
.Ltmp1:
0x25: {  	_ =	swait.ge [sflag:s9], $0x1000;
	(pc) =	sbr.rel @p0 .LBB2_1-.Ltmp1, $4  }
0x26: {  	[sflag:s9] =	ssyncset.done $0x0  }
0x27: {  	[sflag:s9] =	ssyncadd.s32 $0xFFFFF000  }
0x28: {  	[hbm4b:s10+s2] =	stream.linear.scatter [tilespmem:s8], [sflag:$0x2], $0x1000, $0x38;
	[tilespmem:$0x1100] =	vst v63  }
0x29: {  	_ =	swait.ge [sflag:s3], $0x1000  }
.LBB2_2:
0x2a: {  	[sflag:s3] =	ssyncset.done $0x0  }
0x2b: {  	[sflag:s3] =	ssyncadd.s32 $0xFFFFF000  }
0x2c: {  	_ =	sfence.sel $0x180000  }
0x2d: {  	[bflag:$0x0] =	sbarrier.arrive $0xFFFF  }
0x2e: {  	p0 =	sne.s32 s0, $0x0;
	_ =	strace $0x90000047  }
0x2f: {  	s0 =	sadd.s32 @!p0 $0x100000, s1;
	[bflag:$0x2] =	sbarrier.arrive $0xFFFF  }
0x30: {  	[sflag:s0] =	ssyncadd.tile.s32 @!p0 $0x1;
	_ =	shalt  }
.Lfunc_end2:
_tile_overlayer_lowered:
.L_overlay_start_2:
0x31: {  	(tag) =	ssettag $0x2  }
0x32: {  	s0 =	rddreg [dreg:$0x0];
	s2 =	stileid.u32  }
0x33: {  	s1 =	rddreg [dreg:$0x1];
	p0 =	sne.s32 s2, $0x0  }
0x34: {  	s3 =	rddreg [dreg:$0x2];
	[bflag:$0x3] =	sbarrier.arrive $0xFFFF;
	s2 =	simm.s32 @!p0 $0x1C02  }
0x35: {  	[timem:s3], [sflag:s2] =	dma.local @!p0 [hbm:s0], s1  }
0x36: {  	s0 =	simm.s32 @!p0 $0x2  }
0x37: {  	_ =	swait.ge @!p0 [sflag:s0], s1  }
0x38: {  	s1 =	ssub.s32 @!p0 $0x0, s1;
	[sflag:s0] =	ssyncset.done @!p0 $0x0  }
0x39: {  	[sflag:s0] =	ssyncadd.s32 @!p0 s1  }
0x3a: {  	[bflag:$0x3] =	sbarrier.arrive $0xFFFF  }
0x3b: {  	_ =	shalt  }

</sc_bundles>
